<compile_context>
chip_gen: v7x
topology: tpu7x:2x2x1
jax: 0.10.2.dev20260603
libtpu: 0.0.44.dev20260713+nightly
codegen_flags: <defaults>
</compile_context>

<pallas_src>
import functools

import jax
import jax.numpy as jnp
from jax import lax
from jax.experimental import pallas as pl
from jax.experimental.pallas import tpu as pltpu
from jax.experimental.pallas import tpu_sc as plsc

B = 16384
WIN = 48
WOUT = 63
NWORK = 32
RPW = B // NWORK
CHR = 256
OFFS = (0, 16, 32, 47)


def _sc_body(cm_ref, x_hbm, o_hbm, in_v, out_v, cm_v):
    wid = lax.axis_index("s") * 2 + lax.axis_index("c")
    pltpu.sync_copy(cm_ref, cm_v)
    cols = [cm_v[pl.ds(k * 16, 16)] for k in range(4)]

    def row(r, _):
        rv = jnp.full((16,), r, jnp.int32)
        for k in range(4):
            out_v[r, pl.ds(OFFS[k], 16)] = plsc.load_gather(
                in_v, [rv, cols[k]])
        return _

    for c in range(RPW // CHR):
        base = wid * RPW + c * CHR
        pltpu.sync_copy(x_hbm.at[pl.ds(base, CHR), :], in_v)
        lax.fori_loop(0, CHR, row, None)
        pltpu.sync_copy(out_v, o_hbm.at[pl.ds(base, CHR), :])


def _sc_call(in2d, cm):
    f = functools.partial(
        pl.kernel,
        out_type=jax.ShapeDtypeStruct((B, WOUT), jnp.float32),
        mesh=plsc.VectorSubcoreMesh(core_axis_name="c", subcore_axis_name="s"),
        scratch_types=[
            pltpu.VMEM((CHR, WIN), jnp.float32),
            pltpu.VMEM((CHR, WOUT), jnp.float32),
            pltpu.VMEM((64,), jnp.int32),
        ],
        compiler_params=pltpu.CompilerParams(
            needs_layout_passes=False, use_tc_tiling_on_sc=True),
    )(_sc_body)
    return f(cm, in2d)


def kernel(joints, indices):
    cmap = (3 * jnp.repeat(indices.astype(jnp.int32), 3)
            + jnp.tile(jnp.arange(3, dtype=jnp.int32), 21))
    cm = jnp.concatenate(
        [cmap[o:o + 16] for o in OFFS]).astype(jnp.int32)
    out2d = _sc_call(joints.reshape(B, WIN), cm)
    return out2d.reshape(B, 21, 3)

# --- scband reference (transcript-rebuilt; emitter-appended) ---
"""Pipeline reference for scband-joint-map-21577915695344 (READ-ONLY COPY).

The authoritative reference and input builder live on the scoring server;
editing this copy changes nothing except your own understanding.
"""

import jax, jax.numpy as jnp
import numpy as np

def _hand_to_mediapipe():
    return np.array([0, 13, 14, 15, 15, 1, 2, 3, 3, 4, 5, 6, 6, 10, 11, 12, 12, 7, 8, 9, 9], dtype=np.int32)

def setup_inputs(seed: int = 0) -> dict:
    key = jax.random.key(seed)
    joints = jax.random.normal(key, (16384, 16, 3), dtype=jnp.float32)
    indices = jnp.asarray(_hand_to_mediapipe(), dtype=jnp.int32)
    return {"joints": joints, "indices": indices}

def reference(joints, indices):
    # torch.index_select(joints, dim=1, index=indices)
    return jnp.take(joints, indices, axis=1)

if __name__ == "__main__":
    import jax
    _d = setup_inputs()
    print(jax.jit(kernel)(*tuple(_d.values())))

</pallas_src>

<mosaic_0001>
#map = affine_map<(d0, d1) -> (0)>
#map1 = affine_map<(d0, d1) -> (0, 0)>
module attributes {stable_mosaic.version = 14 : i64} {
  func.func @_sc_body(%arg0: i32, %arg1: i32, %arg2: memref<64xi32, #tpu.memory_space<hbm>>, %arg3: memref<16384x48xf32, #tpu.memory_space<hbm>>, %arg4: memref<16384x63xf32, #tpu.memory_space<hbm>>, %arg5: memref<256x48xf32, #tpu.memory_space<vmem>>, %arg6: memref<256x63xf32, #tpu.memory_space<vmem>>, %arg7: memref<64xi32, #tpu.memory_space<vmem>>) attributes {dimension_semantics = [#tpu.dimension_semantics<core_parallel>, #tpu.dimension_semantics<subcore_parallel>], iteration_bounds = array<i64: 2, 16>, scalar_prefetch = 0 : i64, scratch_operands = 3 : i64, tpu.core_type = #tpu.core_type<sc_vector_subcore>, window_params = [{transform_indices = #map}, {transform_indices = #map1}, {transform_indices = #map1}]} {
    %mul3A = arith.constant 2 : i32
    %mul3A_0 = arith.muli %arg1, %mul3A : i32
    %add3A = arith.addi %mul3A_0, %arg0 : i32
    "tpu.region"() ({
      %run_scoped3A = tpu.sem_alloc : memref<!tpu.dma_semaphore, #tpu.memory_space<semaphore_mem>>
      tpu.enqueue_dma source(%arg2 : memref<64xi32, #tpu.memory_space<hbm>>) target(%arg7 : memref<64xi32, #tpu.memory_space<vmem>>) target_semaphore(%run_scoped3A : memref<!tpu.dma_semaphore, #tpu.memory_space<semaphore_mem>>)
      tpu.wait_dma2 semaphore(%run_scoped3A : memref<!tpu.dma_semaphore, #tpu.memory_space<semaphore_mem>>) src(%arg2 : memref<64xi32, #tpu.memory_space<hbm>>) dst(%arg7 : memref<64xi32, #tpu.memory_space<vmem>>)
      tpu.yield
    }) : () -> ()
    %get3A = arith.constant 0 : index
    %get3A_1 = tpu.vector_load %arg7[%get3A] {strides = array<i32>} : memref<64xi32, #tpu.memory_space<vmem>>, vector<16xi32>,
    %get3A_2 = arith.constant 16 : index
    %get3A_3 = tpu.vector_load %arg7[%get3A_2] {strides = array<i32>} : memref<64xi32, #tpu.memory_space<vmem>>, vector<16xi32>,
    %get3A_4 = arith.constant 32 : index
    %get3A_5 = tpu.vector_load %arg7[%get3A_4] {strides = array<i32>} : memref<64xi32, #tpu.memory_space<vmem>>, vector<16xi32>,
    %get3A_6 = arith.constant 48 : index
    %get3A_7 = tpu.vector_load %arg7[%get3A_6] {strides = array<i32>} : memref<64xi32, #tpu.memory_space<vmem>>, vector<16xi32>,
    %mul3A_8 = arith.constant 512 : i32
    %mul3A_9 = arith.muli %add3A, %mul3A_8 : i32
    %add3A_10 = arith.constant 0 : i32
    %add3A_11 = arith.addi %mul3A_9, %add3A_10 : i32
    "tpu.region"() ({
      %run_scoped3A = tpu.sem_alloc : memref<!tpu.dma_semaphore, #tpu.memory_space<semaphore_mem>>
      %dma_start3A = arith.constant 0 : i32
      %dma_start3A_25 = tpu.memref_slice %arg3[%add3A_11, %dma_start3A] : memref<16384x48xf32, #tpu.memory_space<hbm>> -> memref<256x48xf32, #tpu.memory_space<hbm>>
      %dma_start3A_26 = arith.constant 0 : i32
      %dma_start3A_27 = tpu.memref_slice %arg3[%add3A_11, %dma_start3A_26] : memref<16384x48xf32, #tpu.memory_space<hbm>> -> memref<256x48xf32, #tpu.memory_space<hbm>>
      tpu.enqueue_dma source(%dma_start3A_27 : memref<256x48xf32, #tpu.memory_space<hbm>>) target(%arg5 : memref<256x48xf32, #tpu.memory_space<vmem>>) target_semaphore(%run_scoped3A : memref<!tpu.dma_semaphore, #tpu.memory_space<semaphore_mem>>)
      %dma_wait3A = arith.constant 0 : i32
      %dma_wait3A_28 = tpu.memref_slice %arg3[%add3A_11, %dma_wait3A] : memref<16384x48xf32, #tpu.memory_space<hbm>> -> memref<256x48xf32, #tpu.memory_space<hbm>>
      %dma_wait3A_29 = arith.constant 0 : i32
      %dma_wait3A_30 = tpu.memref_slice %arg3[%add3A_11, %dma_wait3A_29] : memref<16384x48xf32, #tpu.memory_space<hbm>> -> memref<256x48xf32, #tpu.memory_space<hbm>>
      tpu.wait_dma2 semaphore(%run_scoped3A : memref<!tpu.dma_semaphore, #tpu.memory_space<semaphore_mem>>) src(%dma_wait3A_30 : memref<256x48xf32, #tpu.memory_space<hbm>>) dst(%arg5 : memref<256x48xf32, #tpu.memory_space<vmem>>)
      tpu.yield
    }) : () -> ()
    %scan3A = arith.constant 0 : i32
    %scan3A_12 = arith.constant 256 : i32
    %scan3A_13 = arith.addi %scan3A, %scan3A_12 : i32
    %scan3A_14 = arith.constant 1 : i32
    scf.for %scan3A_25 = %scan3A to %scan3A_13 step %scan3A_14  : i32 {
      %broadcast_in_dim3A = vector.broadcast %scan3A_25 : i32 to vector<16xi32>
      %gather3A = tpu.vector_load_idx %arg5[%broadcast_in_dim3A, %get3A_1] : memref<256x48xf32, #tpu.memory_space<vmem>>[vector<16xi32>, vector<16xi32>], vector<16xf32>,
      %swap3A = arith.index_cast %scan3A_25 : i32 to index
      %swap3A_26 = arith.constant 0 : index
      %swap3A_27 = tpu.vector_load %arg6[%swap3A, %swap3A_26] {strides = array<i32>} : memref<256x63xf32, #tpu.memory_space<vmem>>, vector<16xf32>,
      tpu.vector_store %arg6[%swap3A, %swap3A_26], %gather3A {strides = array<i32>} : memref<256x63xf32, #tpu.memory_space<vmem>>, vector<16xf32>,
      %gather3A_28 = tpu.vector_load_idx %arg5[%broadcast_in_dim3A, %get3A_3] : memref<256x48xf32, #tpu.memory_space<vmem>>[vector<16xi32>, vector<16xi32>], vector<16xf32>,
      %swap3A_29 = arith.index_cast %scan3A_25 : i32 to index
      %swap3A_30 = arith.constant 16 : index
      %swap3A_31 = tpu.vector_load %arg6[%swap3A_29, %swap3A_30] {strides = array<i32>} : memref<256x63xf32, #tpu.memory_space<vmem>>, vector<16xf32>,
      tpu.vector_store %arg6[%swap3A_29, %swap3A_30], %gather3A_28 {strides = array<i32>} : memref<256x63xf32, #tpu.memory_space<vmem>>, vector<16xf32>,
      %gather3A_32 = tpu.vector_load_idx %arg5[%broadcast_in_dim3A, %get3A_5] : memref<256x48xf32, #tpu.memory_space<vmem>>[vector<16xi32>, vector<16xi32>], vector<16xf32>,
      %swap3A_33 = arith.index_cast %scan3A_25 : i32 to index
      %swap3A_34 = arith.constant 32 : index
      %swap3A_35 = tpu.vector_load %arg6[%swap3A_33, %swap3A_34] {strides = array<i32>} : memref<256x63xf32, #tpu.memory_space<vmem>>, vector<16xf32>,
      tpu.vector_store %arg6[%swap3A_33, %swap3A_34], %gather3A_32 {strides = array<i32>} : memref<256x63xf32, #tpu.memory_space<vmem>>, vector<16xf32>,
      %gather3A_36 = tpu.vector_load_idx %arg5[%broadcast_in_dim3A, %get3A_7] : memref<256x48xf32, #tpu.memory_space<vmem>>[vector<16xi32>, vector<16xi32>], vector<16xf32>,
      %swap3A_37 = arith.index_cast %scan3A_25 : i32 to index
      %swap3A_38 = arith.constant 47 : index
      %swap3A_39 = tpu.vector_load %arg6[%swap3A_37, %swap3A_38] {strides = array<i32>} : memref<256x63xf32, #tpu.memory_space<vmem>>, vector<16xf32>,
      tpu.vector_store %arg6[%swap3A_37, %swap3A_38], %gather3A_36 {strides = array<i32>} : memref<256x63xf32, #tpu.memory_space<vmem>>, vector<16xf32>,
    }
    %scan3A_15 = arith.constant 256 : i32
    "tpu.region"() ({
      %run_scoped3A = tpu.sem_alloc : memref<!tpu.dma_semaphore, #tpu.memory_space<semaphore_mem>>
      %dma_start3A = arith.constant 0 : i32
      %dma_start3A_25 = tpu.memref_slice %arg4[%add3A_11, %dma_start3A] : memref<16384x63xf32, #tpu.memory_space<hbm>> -> memref<256x63xf32, #tpu.memory_space<hbm>>
      %dma_start3A_26 = arith.constant 0 : i32
      %dma_start3A_27 = tpu.memref_slice %arg4[%add3A_11, %dma_start3A_26] : memref<16384x63xf32, #tpu.memory_space<hbm>> -> memref<256x63xf32, #tpu.memory_space<hbm>>
      tpu.enqueue_dma source(%arg6 : memref<256x63xf32, #tpu.memory_space<vmem>>) target(%dma_start3A_27 : memref<256x63xf32, #tpu.memory_space<hbm>>) target_semaphore(%run_scoped3A : memref<!tpu.dma_semaphore, #tpu.memory_space<semaphore_mem>>)
      %dma_wait3A = arith.constant 0 : i32
      %dma_wait3A_28 = tpu.memref_slice %arg4[%add3A_11, %dma_wait3A] : memref<16384x63xf32, #tpu.memory_space<hbm>> -> memref<256x63xf32, #tpu.memory_space<hbm>>
      %dma_wait3A_29 = arith.constant 0 : i32
      %dma_wait3A_30 = tpu.memref_slice %arg4[%add3A_11, %dma_wait3A_29] : memref<16384x63xf32, #tpu.memory_space<hbm>> -> memref<256x63xf32, #tpu.memory_space<hbm>>
      tpu.wait_dma2 semaphore(%run_scoped3A : memref<!tpu.dma_semaphore, #tpu.memory_space<semaphore_mem>>) src(%arg6 : memref<256x63xf32, #tpu.memory_space<vmem>>) dst(%dma_wait3A_30 : memref<256x63xf32, #tpu.memory_space<hbm>>)
      tpu.yield
    }) : () -> ()
    %mul3A_16 = arith.constant 512 : i32
    %mul3A_17 = arith.muli %add3A, %mul3A_16 : i32
    %add3A_18 = arith.constant 256 : i32
    %add3A_19 = arith.addi %mul3A_17, %add3A_18 : i32
    "tpu.region"() ({
      %run_scoped3A = tpu.sem_alloc : memref<!tpu.dma_semaphore, #tpu.memory_space<semaphore_mem>>
      %dma_start3A = arith.constant 0 : i32
      %dma_start3A_25 = tpu.memref_slice %arg3[%add3A_19, %dma_start3A] : memref<16384x48xf32, #tpu.memory_space<hbm>> -> memref<256x48xf32, #tpu.memory_space<hbm>>
      %dma_start3A_26 = arith.constant 0 : i32
      %dma_start3A_27 = tpu.memref_slice %arg3[%add3A_19, %dma_start3A_26] : memref<16384x48xf32, #tpu.memory_space<hbm>> -> memref<256x48xf32, #tpu.memory_space<hbm>>
      tpu.enqueue_dma source(%dma_start3A_27 : memref<256x48xf32, #tpu.memory_space<hbm>>) target(%arg5 : memref<256x48xf32, #tpu.memory_space<vmem>>) target_semaphore(%run_scoped3A : memref<!tpu.dma_semaphore, #tpu.memory_space<semaphore_mem>>)
      %dma_wait3A = arith.constant 0 : i32
      %dma_wait3A_28 = tpu.memref_slice %arg3[%add3A_19, %dma_wait3A] : memref<16384x48xf32, #tpu.memory_space<hbm>> -> memref<256x48xf32, #tpu.memory_space<hbm>>
      %dma_wait3A_29 = arith.constant 0 : i32
      %dma_wait3A_30 = tpu.memref_slice %arg3[%add3A_19, %dma_wait3A_29] : memref<16384x48xf32, #tpu.memory_space<hbm>> -> memref<256x48xf32, #tpu.memory_space<hbm>>
      tpu.wait_dma2 semaphore(%run_scoped3A : memref<!tpu.dma_semaphore, #tpu.memory_space<semaphore_mem>>) src(%dma_wait3A_30 : memref<256x48xf32, #tpu.memory_space<hbm>>) dst(%arg5 : memref<256x48xf32, #tpu.memory_space<vmem>>)
      tpu.yield
    }) : () -> ()
    %scan3A_20 = arith.constant 0 : i32
    %scan3A_21 = arith.constant 256 : i32
    %scan3A_22 = arith.addi %scan3A_20, %scan3A_21 : i32
    %scan3A_23 = arith.constant 1 : i32
    scf.for %scan3A_25 = %scan3A_20 to %scan3A_22 step %scan3A_23  : i32 {
      %broadcast_in_dim3A = vector.broadcast %scan3A_25 : i32 to vector<16xi32>
      %gather3A = tpu.vector_load_idx %arg5[%broadcast_in_dim3A, %get3A_1] : memref<256x48xf32, #tpu.memory_space<vmem>>[vector<16xi32>, vector<16xi32>], vector<16xf32>,
      %swap3A = arith.index_cast %scan3A_25 : i32 to index
      %swap3A_26 = arith.constant 0 : index
      %swap3A_27 = tpu.vector_load %arg6[%swap3A, %swap3A_26] {strides = array<i32>} : memref<256x63xf32, #tpu.memory_space<vmem>>, vector<16xf32>,
      tpu.vector_store %arg6[%swap3A, %swap3A_26], %gather3A {strides = array<i32>} : memref<256x63xf32, #tpu.memory_space<vmem>>, vector<16xf32>,
      %gather3A_28 = tpu.vector_load_idx %arg5[%broadcast_in_dim3A, %get3A_3] : memref<256x48xf32, #tpu.memory_space<vmem>>[vector<16xi32>, vector<16xi32>], vector<16xf32>,
      %swap3A_29 = arith.index_cast %scan3A_25 : i32 to index
      %swap3A_30 = arith.constant 16 : index
      %swap3A_31 = tpu.vector_load %arg6[%swap3A_29, %swap3A_30] {strides = array<i32>} : memref<256x63xf32, #tpu.memory_space<vmem>>, vector<16xf32>,
      tpu.vector_store %arg6[%swap3A_29, %swap3A_30], %gather3A_28 {strides = array<i32>} : memref<256x63xf32, #tpu.memory_space<vmem>>, vector<16xf32>,
      %gather3A_32 = tpu.vector_load_idx %arg5[%broadcast_in_dim3A, %get3A_5] : memref<256x48xf32, #tpu.memory_space<vmem>>[vector<16xi32>, vector<16xi32>], vector<16xf32>,
      %swap3A_33 = arith.index_cast %scan3A_25 : i32 to index
      %swap3A_34 = arith.constant 32 : index
      %swap3A_35 = tpu.vector_load %arg6[%swap3A_33, %swap3A_34] {strides = array<i32>} : memref<256x63xf32, #tpu.memory_space<vmem>>, vector<16xf32>,
      tpu.vector_store %arg6[%swap3A_33, %swap3A_34], %gather3A_32 {strides = array<i32>} : memref<256x63xf32, #tpu.memory_space<vmem>>, vector<16xf32>,
      %gather3A_36 = tpu.vector_load_idx %arg5[%broadcast_in_dim3A, %get3A_7] : memref<256x48xf32, #tpu.memory_space<vmem>>[vector<16xi32>, vector<16xi32>], vector<16xf32>,
      %swap3A_37 = arith.index_cast %scan3A_25 : i32 to index
      %swap3A_38 = arith.constant 47 : index
      %swap3A_39 = tpu.vector_load %arg6[%swap3A_37, %swap3A_38] {strides = array<i32>} : memref<256x63xf32, #tpu.memory_space<vmem>>, vector<16xf32>,
      tpu.vector_store %arg6[%swap3A_37, %swap3A_38], %gather3A_36 {strides = array<i32>} : memref<256x63xf32, #tpu.memory_space<vmem>>, vector<16xf32>,
    }
    %scan3A_24 = arith.constant 256 : i32
    "tpu.region"() ({
      %run_scoped3A = tpu.sem_alloc : memref<!tpu.dma_semaphore, #tpu.memory_space<semaphore_mem>>
      %dma_start3A = arith.constant 0 : i32
      %dma_start3A_25 = tpu.memref_slice %arg4[%add3A_19, %dma_start3A] : memref<16384x63xf32, #tpu.memory_space<hbm>> -> memref<256x63xf32, #tpu.memory_space<hbm>>
      %dma_start3A_26 = arith.constant 0 : i32
      %dma_start3A_27 = tpu.memref_slice %arg4[%add3A_19, %dma_start3A_26] : memref<16384x63xf32, #tpu.memory_space<hbm>> -> memref<256x63xf32, #tpu.memory_space<hbm>>
      tpu.enqueue_dma source(%arg6 : memref<256x63xf32, #tpu.memory_space<vmem>>) target(%dma_start3A_27 : memref<256x63xf32, #tpu.memory_space<hbm>>) target_semaphore(%run_scoped3A : memref<!tpu.dma_semaphore, #tpu.memory_space<semaphore_mem>>)
      %dma_wait3A = arith.constant 0 : i32
      %dma_wait3A_28 = tpu.memref_slice %arg4[%add3A_19, %dma_wait3A] : memref<16384x63xf32, #tpu.memory_space<hbm>> -> memref<256x63xf32, #tpu.memory_space<hbm>>
      %dma_wait3A_29 = arith.constant 0 : i32
      %dma_wait3A_30 = tpu.memref_slice %arg4[%add3A_19, %dma_wait3A_29] : memref<16384x63xf32, #tpu.memory_space<hbm>> -> memref<256x63xf32, #tpu.memory_space<hbm>>
      tpu.wait_dma2 semaphore(%run_scoped3A : memref<!tpu.dma_semaphore, #tpu.memory_space<semaphore_mem>>) src(%arg6 : memref<256x63xf32, #tpu.memory_space<vmem>>) dst(%dma_wait3A_30 : memref<256x63xf32, #tpu.memory_space<hbm>>)
      tpu.yield
    }) : () -> ()
    return
  }
}

</mosaic_0001>

<sc_bundles>
// kernel: kernel.3.cloned.1.call-start
scs
__scs_entry_jumppad:
0x0: {  	(pc) =	sbr.rel $0x88, $3  }
0x1: {  	(tag) =	ssettag $0x0;
	lr =	simm.s32 $0x1  }
0x2: {  	[smem:$0x3F9F] =	sst lr;
	_ =	strace $0xD0000000  }
0x3: {  	_ = 	snop  }
0x4: {  	_ = 	snop  }
0x5: {  	_ = 	snop  }
0x6: {  	_ = 	snop  }
0x7: {  	_ = 	snop  }
__scs_overlays_trampoline_lowered:
0x8: {  	[smem:$0x3FAE] =	sst s0  }
0x9: {  	[smem:$0x3FAF] =	sst s1  }
0xa: {  	[smem:$0x3FB0] =	sst s2  }
0xb: {  	[smem:$0x3FB1] =	sst s3  }
0xc: {  	[smem:$0x3FB2] =	sst s4  }
0xd: {  	[smem:$0x3FB3] =	sst s5  }
0xe: {  	[smem:$0x3FB4] =	sst s6  }
0xf: {  	[smem:$0x3FB5] =	sst s7  }
0x10: {  	[smem:$0x3FB6] =	sst s8  }
0x11: {  	[smem:$0x3FB7] =	sst s9;
	s0 =	simm.s32 @!p0 $0x0  }
0x12: {  	s1 =	sld [smem:$0x3F9D];
	s0 =	simm.s32 @p0 $0x1  }
0x13: {  	[smem:$0x3FB8] =	sst s0;
	s0 =	simm.s32 @!p1 $0x0  }
0x14: {  	s2 =	sld [smem:$0x3F9C];
	s0 =	simm.s32 @p1 $0x1  }
0x15: {  	[smem:$0x3FB9] =	sst s0;
	s0 =	simm.s32 @!p2 $0x0  }
0x16: {  	s3 =	sld [smem:$0x3FDB];
	s0 =	simm.s32 @p2 $0x1  }
0x17: {  	s4 =	simm.s32 $0x1BF5;
	[smem:$0x3FBB] =	sst s0  }
0x18: {  	s0 =	sld [smem:$0x3F9E];
	_ =	swait.ge [sflag:s4], $0x0  }
0x19: {  	s7 =	sld [smem:$0x3F9F]  }
0x1a: {  	s8 =	sadd.s32 $0xFFFFE003, lr  }
0x1b: {  	s9 =	sadd.s32 $0xFFFFFEF7, lr;
	s5 =	simm.s32 $0xFFFFFFFF;
	p2 =	slt.u32 s8, $0xFFFFF086  }
0x1c: {  	p1 =	slt.u32 s9, $0xF7A;
	s5 =	simm.s32 @!p2 $0x0  }
0x1d: {  	s5 =	simm.s32 @p1 $0x1;
	p0 =	seq.s32 s7, s2  }
0x1e: {  	s7 =	smul.u32 @!p0 $0xF7A, s2;
	p2 =	seq.s32 @!p0 s5, $0x0  }
0x1f: {  	s9 =	smul.u32 $0xF7A, s1;
	s8 =	simm.s32 @!p0 $0x1BF5;
	p2 =	por !p2, p0  }
0x20: {  	[sflag:s8] =	ssyncset.s32 @!p0 $0xFFFFF086;
	s6 =	sadd.s32 @!p0 s3, s7;
	s7 =	simm.s32 @!p0 $0x108  }
0x21: {  	s3 =	sadd.s32 s3, s9;
	s6 =	sadd.s32 @!p0 $0x88, s6;
	s7 =	simm.s32 @p2 $0x1082  }
0x22: {  	[simem:s7], [sflag:s8] =	dma.local @!p0 [hbm:s6], $0xF7A  }
0x23: {  	s9 =	sor.u32 $0xD0000000, s2;
	s6 =	simm.s32 $0x108;
	_ =	swait.ge @!p0 [sflag:s8], $0x0  }
0x24: {  	s3 =	sadd.s32 $0x88, s3;
	s6 =	simm.s32 @!p1 $0x1082;
	[sflag:s4] =	ssyncset.s32 $0xFFFFF086  }
0x25: {  	[simem:s6], [sflag:s4] =	dma.local [hbm:s3], $0xF7A  }
0x26: {  	[smem:$0x3F9F] =	sst s1;
	(tag) =	ssettag s2;
	_ =	strace s9  }
0x27: {  	s1 =	sld [smem:$0x3FAF]  }
0x28: {  	s2 =	sld [smem:$0x3FB0]  }
0x29: {  	s4 =	sld [smem:$0x3FB2]  }
0x2a: {  	p0 =	seq.s32 s5, $0x0;
	s5 =	sld [smem:$0x3FB3]  }
0x2b: {  	s6 =	sld [smem:$0x3FB4]  }
0x2c: {  	s7 =	sld [smem:$0x3FB5]  }
0x2d: {  	s3 =	simm.s32 $0x108;
	s8 =	sld [smem:$0x3FB6]  }
0x2e: {  	s3 =	simm.s32 @!p0 $0x1082;
	s9 =	sld [smem:$0x3FB7]  }
0x2f: {  	lr =	sadd.s32 s0, s3;
	s0 =	sld [smem:$0x3FAE]  }
0x30: {  	s3 =	sld [smem:$0x3FB1]  }
0x31: {  	[smem:$0x3FBA] =	sst s10  }
0x32: {  	s10 =	sld [smem:$0x3FB8];
	_ =	sdelay $0x3  }
0x33: {  	p0 =	seq.s32 s10, $0x1;
	s10 =	sld [smem:$0x3FBA];
	_ =	sdelay $0x3  }
0x34: {  	[smem:$0x3FBA] =	sst s10  }
0x35: {  	s10 =	sld [smem:$0x3FB9];
	_ =	sdelay $0x3  }
0x36: {  	p1 =	seq.s32 s10, $0x1;
	s10 =	sld [smem:$0x3FBA];
	_ =	sdelay $0x3  }
0x37: {  	[smem:$0x3FBA] =	sst s10  }
0x38: {  	s10 =	sld [smem:$0x3FBB]  }
0x39: {  	_ = 	snop;
	(pc) =	sbr.ind lr, $3  }
0x3a: {  	_ = 	snop  }
0x3b: {  	_ = 	snop  }
0x3c: {  	p2 =	seq.s32 s10, $0x1;
	s10 =	sld [smem:$0x3FBA]  }
0x3d: {  	_ =	shalt  }
0x3e: {  	_ =	shalt  }
0x3f: {  	_ =	shalt  }
0x40: {  	_ =	shalt  }
0x41: {  	_ =	shalt  }
0x42: {  	_ =	shalt  }
0x43: {  	_ =	shalt  }
0x44: {  	_ =	shalt  }
0x45: {  	_ =	shalt  }
0x46: {  	_ =	shalt  }
0x47: {  	_ =	shalt  }
0x48: {  	_ =	shalt  }
0x49: {  	_ =	shalt  }
0x4a: {  	_ =	shalt  }
0x4b: {  	_ =	shalt  }
0x4c: {  	_ =	shalt  }
0x4d: {  	_ =	shalt  }
0x4e: {  	_ =	shalt  }
0x4f: {  	_ =	shalt  }
0x50: {  	_ =	shalt  }
0x51: {  	_ =	shalt  }
0x52: {  	_ =	shalt  }
0x53: {  	_ =	shalt  }
0x54: {  	_ =	shalt  }
0x55: {  	_ =	shalt  }
0x56: {  	_ =	shalt  }
0x57: {  	_ =	shalt  }
0x58: {  	_ =	shalt  }
0x59: {  	_ =	shalt  }
0x5a: {  	_ =	shalt  }
0x5b: {  	_ =	shalt  }
0x5c: {  	_ =	shalt  }
0x5d: {  	_ =	shalt  }
0x5e: {  	_ =	shalt  }
0x5f: {  	_ =	shalt  }
0x60: {  	_ =	shalt  }
0x61: {  	_ =	shalt  }
0x62: {  	_ =	shalt  }
0x63: {  	_ =	shalt  }
0x64: {  	_ =	shalt  }
0x65: {  	_ =	shalt  }
0x66: {  	_ =	shalt  }
0x67: {  	_ =	shalt  }
0x68: {  	_ =	shalt  }
0x69: {  	_ =	shalt  }
0x6a: {  	_ =	shalt  }
0x6b: {  	_ =	shalt  }
0x6c: {  	_ =	shalt  }
0x6d: {  	_ =	shalt  }
0x6e: {  	_ =	shalt  }
0x6f: {  	_ =	shalt  }
0x70: {  	_ =	shalt  }
0x71: {  	_ =	shalt  }
0x72: {  	_ =	shalt  }
0x73: {  	_ =	shalt  }
0x74: {  	_ =	shalt  }
0x75: {  	_ =	shalt  }
0x76: {  	_ =	shalt  }
0x77: {  	_ =	shalt  }
0x78: {  	_ =	shalt  }
0x79: {  	_ =	shalt  }
0x7a: {  	_ =	shalt  }
0x7b: {  	_ =	shalt  }
0x7c: {  	_ =	shalt  }
0x7d: {  	_ =	shalt  }
0x7e: {  	_ =	shalt  }
0x7f: {  	_ =	shalt  }
0x80: {  	_ =	shalt  }
0x81: {  	_ =	shalt  }
0x82: {  	_ =	shalt  }
0x83: {  	_ =	shalt  }
0x84: {  	_ =	shalt  }
0x85: {  	_ =	shalt  }
0x86: {  	_ =	shalt  }
0x87: {  	_ =	shalt  }
.Lfunc_end0:
.L_simem_size_0:
called_computation_lowered:
.L_overlay_start_0:
0x88: {  	s2 =	sld [smem:$0x3FD9]  }
0x89: {  	s3 =	sld [smem:$0x3FFE];
	_ =	sdelay $0x1  }
0x8a: {  	s1 =	srdreg.scid  }
0x8b: {  	s0 =	sand.u32 $0x1, s1  }
0x8c: {  	s17 =	sshll.u32 s0, $0xA;
	s2 =	sadd.s32 s3, s2  }
0x8d: {  	s2 =	sadd.s32 s2, s17  }
0x8e: {  	[smem:$0x3FC6] =	sst s2  }
0x8f: {  	_ = 	snop  }
0x90: {  	s2 =	sld [smem:$0x3FD0];
	(tm) =	ssettm $0x1  }
0x91: {  	s18 =	sld [smem:$0x3FFB];
	_ =	sdelay $0x3  }
0x92: {  	_ =	strace s18  }
0x93: {  	s3 =	sld [smem:$0x3FFC];
	_ =	sdelay $0x3  }
0x94: {  	_ =	strace s3  }
0x95: {  	s3 =	sld [smem:$0x3FFD];
	_ =	sdelay $0x3  }
0x96: {  	_ =	strace s3  }
0x97: {  	_ =	strace $0x8FFFFFFF  }
0x98: {  	s19 =	sld [smem:$0x3FDB];
	_ =	sdelay $0x1  }
0x99: {  	s4 =	simm.s32 $_scs_section_size  }
0x9a: {  	s5 =	simm.s32 $_size__tile_overlayer_lowered;
	s6 =	simm.s32 $_tile_overlayer_lowered  }
0x9b: {  	s22 =	simm.s32 $0x1BFF;
	s21 =	sshll.u32 s6, $0x1;
	s3 =	sadd.s32 s4, s19  }
0x9c: {  	s7 =	simm.s32 $0x0;
	s20 =	sshll.u32 s5, $0x1;
	s5 =	sadd.s32 s21, s3  }
0x9d: {  	[timem:s7], [sflag:s22] =	dma.local [hbm:s5], s20  }
0x9e: {  	_ =	swait.ge [sflag:s22], s20  }
0x9f: {  	s4 =	ssub.s32 $0x0, s20;
	[sflag:s22] =	ssyncset.done $0x0  }
0xa0: {  	[sflag:s22] =	ssyncadd.s32 s4;
	_ =	sdelay $0x1  }
0xa1: {  	s23 =	simm.s32 $0x1B8B  }
0xa2: {  	_ =	swait.ge [sflag:s23], $0x1  }
0xa3: {  	[sflag:s23] =	ssyncset.done $0x0  }
0xa4: {  	s25 =	simm.s32 $0x1B8E;
	s24 =	sld [smem:$0x3FFE];
	[sflag:s23] =	ssyncadd.s32 $0xFFFFFFFF  }
0xa5: {  	s26 =	simm.s32 $execute0_lowered;
	[smem:$0x3FD2] =	sst s25  }
0xa6: {  	s5 =	sshll.u32 s26, $0x1;
	_ =	strace $0x80000046;
	[dreg:$0x1] =	wrdreg $0xFFFFFFFF  }
0xa7: {  	s28 =	simm.s32 $_size_execute0_lowered;
	s3 =	sadd.s32 s3, s5;
	[dreg:$0x0] =	wrdreg $0x0  }
0xa8: {  	s5 =	sshll.u32 s28, $0x1;
	[dreg:$0x2] =	wrdreg s3  }
0xa9: {  	[dreg:$0x3] =	wrdreg s5  }
0xaa: {  	[dreg:$0x4] =	wrdreg $0xC0  }
0xab: {  	_ =	task [dreg:s7], $0x5FFFF  }
0xac: {  	[dreg:$0x1] =	wrdreg $0xFFFFFFFF  }
0xad: {  	[dreg:$0x0] =	wrdreg $0x60  }
0xae: {  	[dreg:$0x2] =	wrdreg s2  }
0xaf: {  	[dreg:$0x3] =	wrdreg s24  }
0xb0: {  	[dreg:$0x4] =	wrdreg $0x9  }
0xb1: {  	_ =	task.clear_ibuf [dreg:s7], $0x5FFFF;
	_ =	strace $0x90000046  }
0xb2: {  	s29 =	simm.s32 $0x9;
	_ =	strace $0x80000048  }
0xb3: {  	_ =	swait.ge [sflag:s29], $0x1  }
0xb4: {  	[sflag:s29] =	ssyncadd.s32 $0xFFFFFFFF  }
0xb5: {  	_ =	strace $0x90000048  }
0xb6: {  	_ =	sfence  }
0xb7: {  	s30 =	sld [smem:$0x0];
	_ =	sdelay $0x2  }
0xb8: {  	s31 =	sshll.u32 s1, $0xD;
	s1 =	sshrl.u32 s1, $0x2  }
0xb9: {  	s3 =	sand.u32 $0x4000, s31;
	s1 =	sadd.s32 s1, s30  }
0xba: {  	s0 =	sor.u32 s3, s0;
	s1 =	sshll.u32 s1, $0x11  }
0xbb: {  	s0 =	sor.u32 s1, s0  }
0xbc: {  	s0 =	sadd.s32 $0x8F2B, s0  }
0xbd: {  	[sflag:s0] =	ssyncadd.remote.s32 $0x1  }
0xbe: {  	_ =	sfence.sel $0xFFFF  }
0xbf: {  	[dreg:$0x0] =	wrdreg $0xFFFFFFFF;
	(pc) =	sbr.abs _section_cstart, $3  }
0xc0: {  	[dreg:$0x1] =	wrdreg $0xFFFFFFFF  }
0xc1: {  	_ =	task.clear_ibuf [dreg:s7], $0x2FFFF;
	_ =	strace $0x9FFFFFFF  }
0xc2: {  	(tm) =	ssettm $0x7FFFFFFF  }
0xc3: {  	_ =	shalt  }
tec
execute0_lowered:
.L_overlay_start_1:
0x0: {  	(tag) =	ssettag $0x1  }
0x1: {  	s1 =	rddreg [dreg:$0x0]  }
0x2: {  	s4 =	rddreg [dreg:$0x1]  }
0x3: {  	s0 =	rddreg [dreg:$0x2]  }
0x4: {  	s3 =	simm.s32 $0x0;
	s5 =	srdreg.scid;
	s2 =	stileid.u32  }
0x5: {  	s11 =	simm.s32 $0x8000;
	s12 =	simm.s32 $0x0;
	[smem:$0x7FF] =	sst s3  }
0x6: {  	s5 =	sand.u32 $0x1, s5;
	s7 =	sshll.u32 s2, $0xE;
	s8 =	sadd.s32 $0x400, s4  }
0x7: {  	s31 =	sadd.s32 $0x40400, s4;
	s6 =	ssub.s32 $0x2, s5;
	s5 =	sshll.u32 s5, $0xD  }
0x8: {  	_ =	strace $0x80000047;
	s9 =	sshrl.u32 s6, $0x1;
	s5 =	sor.u32 s5, s7  }
0x9: {  	s9 =	ssub.s32 s6, s9;
	s10 =	sor.u32 $0x1000, s5;
	s4 =	sadd.s32 s8, s5  }
0xa: {  	s5 =	sadd.s32 s31, s5;
	s6 =	sadd.s32 s8, s10;
	s7 =	sadd.s32 s31, s10  }
0xb: {  	s8 =	smax.u32 s9, $0x1;
	s9 =	simm.s32 $0x10000;
	s10 =	simm.s32 $0x1  }
.LBB2_1:
0xc: {  	[tilespmem:s9], [sflag:$0x1] =	stream.linear.gather [hbm4b:s1+s3], $0x80, $0x38;
	[tilespmem:$0x10080] =	vst v63  }
0xd: {  	_ =	swait.ge [sflag:s10], $0x80  }
0xe: {  	[sflag:s10] =	ssyncset.done $0x0  }
0xf: {  	[sflag:s10] =	ssyncadd.s32 $0xFFFFFF80  }
0x10: {  	v3 =	vld [tilespmem:$0x10000];
	_ =	sdelay $0x3  }
0x11: {  	s14 =	simm.s32 $0x0;
	v2 =	vld [tilespmem:$0x10010]  }
0x12: {  	v1 =	vld [tilespmem:$0x10020];
	v4 =	vadd.s32 s14, v3  }
0x13: {  	v0 =	vld [tilespmem:$0x10030];
	[tilespmem:s3], [sflag:$0x1] =	stream.linear.gather [hbm4b:s4+s3], $0x8000, $0x38  }
0x14: {  	_ =	swait.ge [sflag:s10], $0x8000  }
0x15: {  	[sflag:s10] =	ssyncset.done $0x0  }
0x16: {  	[sflag:s10] =	ssyncadd.s32 $0xFFFF8000  }
0x17: {  	v4 =	vld.idx.msk [tilespmem:v4+s3+$0x0], $0xffff  }
0x18: {  	v5 =	vadd.s32 s14, v2;
	_ =	sdelay $0x2  }
0x19: {  	s13 =	simm.s32 $0x8020  }
0x1a: {  	[tilespmem:s13+$0xFFFFFFE0] =	vst v4  }
0x1b: {  	v4 =	vld.idx.msk [tilespmem:v5+s3+$0x0], $0xffff  }
0x1c: {  	v5 =	vadd.s32 s14, v1;
	_ =	sdelay $0x3  }
0x1d: {  	[tilespmem:s13+$0xFFFFFFF0] =	vst v4  }
0x1e: {  	v4 =	vld.idx.msk [tilespmem:v5+s3+$0x0], $0xffff  }
0x1f: {  	v5 =	vadd.s32 s14, v0;
	_ =	sdelay $0x3  }
0x20: {  	[tilespmem:s13+$0x0] =	vst v4  }
0x21: {  	s15 =	simm.s32 $0x2;
	s14 =	simm.s32 $0x80;
	v4 =	vld.idx.msk [tilespmem:v5+s3+$0x0], $0xffff  }
.LBB2_2:
0x22: {  	p0 =	sne.s32 s15, $0xFF;
	v5 =	vadd.s32 s14, v3;
	_ =	sdelay $0x3  }
0x23: {  	[tilespmem:s13+$0xF] =	vst v4  }
0x24: {  	v4 =	vld.idx.msk [tilespmem:v5+s3+$0x0], $0xffff;
	_ =	sdelay $0x1  }
0x25: {  	v5 =	vadd.s32 s14, v2;
	_ =	sdelay $0x2  }
0x26: {  	s13 =	sadd.s32 $0x80, s13  }
0x27: {  	[tilespmem:s13+$0xFFFFFFE0] =	vst v4  }
0x28: {  	v4 =	vld.idx.msk [tilespmem:v5+s3+$0x0], $0xffff;
	_ =	sdelay $0x1  }
0x29: {  	v5 =	vadd.s32 s14, v1;
	_ =	sdelay $0x3  }
0x2a: {  	[tilespmem:s13+$0xFFFFFFF0] =	vst v4  }
0x2b: {  	v4 =	vld.idx.msk [tilespmem:v5+s3+$0x0], $0xffff;
	_ =	sdelay $0x1  }
0x2c: {  	v5 =	vadd.s32 s14, v0;
	_ =	sdelay $0x1  }
.Ltmp0:
0x2d: {  	(pc) =	sbr.rel @p0 .LBB2_2-.Ltmp0, $4  }
0x2e: {  	_ = 	snop  }
0x2f: {  	[tilespmem:s13+$0x0] =	vst v4  }
0x30: {  	v4 =	vld.idx.msk [tilespmem:v5+s3+$0x0], $0xffff  }
0x31: {  	s14 =	sshll.u32 s15, $0x7;
	s15 =	sadd.s32 $0x1, s15  }
0x32: {  	v5 =	vadd.s32 s14, v3;
	_ =	sdelay $0x3  }
0x33: {  	[tilespmem:s13+$0xF] =	vst v4  }
0x34: {  	v4 =	vld.idx.msk [tilespmem:v5+s3+$0x0], $0xffff  }
0x35: {  	v5 =	vadd.s32 s14, v2;
	_ =	sdelay $0x2  }
0x36: {  	s29 =	sadd.s32 $0x80, s13  }
0x37: {  	[tilespmem:s29+$0xFFFFFFE0] =	vst v4  }
0x38: {  	v4 =	vld.idx.msk [tilespmem:v5+s3+$0x0], $0xffff  }
0x39: {  	v5 =	vadd.s32 s14, v1;
	_ =	sdelay $0x3  }
0x3a: {  	[tilespmem:s29+$0xFFFFFFF0] =	vst v4  }
0x3b: {  	v4 =	vld.idx.msk [tilespmem:v5+s3+$0x0], $0xffff  }
0x3c: {  	v5 =	vadd.s32 s14, v0;
	_ =	sdelay $0x3  }
0x3d: {  	[tilespmem:s29+$0x0] =	vst v4  }
0x3e: {  	v4 =	vld.idx.msk [tilespmem:v5+s3+$0x0], $0xffff;
	_ =	sdelay $0x4  }
0x3f: {  	s30 =	simm.s32 $0x0;
	[tilespmem:s29+$0xF] =	vst v4  }
0x40: {  	[hbm4b:s5+s30] =	stream.linear.scatter [tilespmem:s11], [sflag:$0x1], $0x8000, $0x38;
	[tilespmem:$0x10080] =	vst v63  }
0x41: {  	_ =	swait.ge [sflag:s10], $0x8000  }
0x42: {  	s31 =	simm.s32 $0x0;
	[sflag:s10] =	ssyncset.done $0x0  }
0x43: {  	v4 =	vadd.s32 s31, v3;
	[sflag:s10] =	ssyncadd.s32 $0xFFFF8000  }
0x44: {  	[tilespmem:s30], [sflag:$0x1] =	stream.linear.gather [hbm4b:s6+s30], $0x8000, $0x38;
	[tilespmem:$0x10080] =	vst v63  }
0x45: {  	_ =	swait.ge [sflag:s10], $0x8000  }
0x46: {  	[sflag:s10] =	ssyncset.done $0x0  }
0x47: {  	[sflag:s10] =	ssyncadd.s32 $0xFFFF8000  }
0x48: {  	v4 =	vld.idx.msk [tilespmem:v4+s3+$0x0], $0xffff  }
0x49: {  	v5 =	vadd.s32 s31, v2;
	_ =	sdelay $0x2  }
0x4a: {  	s13 =	simm.s32 $0x8020  }
0x4b: {  	[tilespmem:s13+$0xFFFFFFE0] =	vst v4  }
0x4c: {  	v4 =	vld.idx.msk [tilespmem:v5+s3+$0x0], $0xffff  }
0x4d: {  	v5 =	vadd.s32 s31, v1;
	_ =	sdelay $0x3  }
0x4e: {  	[tilespmem:s13+$0xFFFFFFF0] =	vst v4  }
0x4f: {  	v4 =	vld.idx.msk [tilespmem:v5+s3+$0x0], $0xffff  }
0x50: {  	v5 =	vadd.s32 s31, v0;
	_ =	sdelay $0x3  }
0x51: {  	[tilespmem:s13+$0x0] =	vst v4  }
0x52: {  	s15 =	simm.s32 $0x2;
	s14 =	simm.s32 $0x80;
	v4 =	vld.idx.msk [tilespmem:v5+s3+$0x0], $0xffff  }
.LBB2_4:
0x53: {  	p0 =	sne.s32 s15, $0xFF;
	v5 =	vadd.s32 s14, v3;
	_ =	sdelay $0x3  }
0x54: {  	[tilespmem:s13+$0xF] =	vst v4  }
0x55: {  	v4 =	vld.idx.msk [tilespmem:v5+s3+$0x0], $0xffff;
	_ =	sdelay $0x1  }
0x56: {  	v5 =	vadd.s32 s14, v2;
	_ =	sdelay $0x2  }
0x57: {  	s13 =	sadd.s32 $0x80, s13  }
0x58: {  	[tilespmem:s13+$0xFFFFFFE0] =	vst v4  }
0x59: {  	v4 =	vld.idx.msk [tilespmem:v5+s3+$0x0], $0xffff;
	_ =	sdelay $0x1  }
0x5a: {  	v5 =	vadd.s32 s14, v1;
	_ =	sdelay $0x3  }
0x5b: {  	[tilespmem:s13+$0xFFFFFFF0] =	vst v4  }
0x5c: {  	v4 =	vld.idx.msk [tilespmem:v5+s3+$0x0], $0xffff;
	_ =	sdelay $0x1  }
0x5d: {  	v5 =	vadd.s32 s14, v0;
	_ =	sdelay $0x1  }
.Ltmp1:
0x5e: {  	(pc) =	sbr.rel @p0 .LBB2_4-.Ltmp1, $4  }
0x5f: {  	_ = 	snop  }
0x60: {  	[tilespmem:s13+$0x0] =	vst v4  }
0x61: {  	v4 =	vld.idx.msk [tilespmem:v5+s3+$0x0], $0xffff  }
0x62: {  	s14 =	sshll.u32 s15, $0x7;
	s15 =	sadd.s32 $0x1, s15  }
0x63: {  	v3 =	vadd.s32 s14, v3;
	_ =	sdelay $0x3  }
0x64: {  	[tilespmem:s13+$0xF] =	vst v4  }
0x65: {  	v3 =	vld.idx.msk [tilespmem:v3+s3+$0x0], $0xffff  }
0x66: {  	v2 =	vadd.s32 s14, v2;
	_ =	sdelay $0x2  }
0x67: {  	s31 =	sadd.s32 $0x80, s13  }
0x68: {  	[tilespmem:s31+$0xFFFFFFE0] =	vst v3  }
0x69: {  	v2 =	vld.idx.msk [tilespmem:v2+s3+$0x0], $0xffff  }
0x6a: {  	v1 =	vadd.s32 s14, v1;
	_ =	sdelay $0x3  }
0x6b: {  	[tilespmem:s31+$0xFFFFFFF0] =	vst v2  }
0x6c: {  	v1 =	vld.idx.msk [tilespmem:v1+s3+$0x0], $0xffff  }
0x6d: {  	v0 =	vadd.s32 s14, v0;
	_ =	sdelay $0x3  }
0x6e: {  	[tilespmem:s31+$0x0] =	vst v1  }
0x6f: {  	v0 =	vld.idx.msk [tilespmem:v0+s3+$0x0], $0xffff;
	_ =	sdelay $0x2  }
0x70: {  	s12 =	sadd.s32 $0x1, s12  }
0x71: {  	p0 =	sne.s32 s12, s8  }
.Ltmp2:
0x72: {  	[tilespmem:s31+$0xF] =	vst v0;
	(pc) =	sbr.rel @p0 .LBB2_1-.Ltmp2, $4  }
0x73: {  	[hbm4b:s7+s3] =	stream.linear.scatter [tilespmem:s11], [sflag:$0x1], $0x8000, $0x38;
	[tilespmem:$0x10080] =	vst v63  }
0x74: {  	_ =	swait.ge [sflag:s10], $0x8000  }
0x75: {  	[sflag:s10] =	ssyncset.done $0x0  }
0x76: {  	[sflag:s10] =	ssyncadd.s32 $0xFFFF8000  }
0x77: {  	_ =	sfence.sel $0x180000  }
0x78: {  	[bflag:$0x0] =	sbarrier.arrive $0xFFFF  }
0x79: {  	p0 =	sne.s32 s2, $0x0;
	_ =	strace $0x90000047  }
0x7a: {  	s0 =	sadd.s32 @!p0 $0x100000, s0;
	[bflag:$0x2] =	sbarrier.arrive $0xFFFF  }
0x7b: {  	[sflag:s0] =	ssyncadd.tile.s32 @!p0 $0x1;
	_ =	shalt  }
.Lfunc_end2:
_tile_overlayer_lowered:
.L_overlay_start_2:
0x7c: {  	(tag) =	ssettag $0x2  }
0x7d: {  	s0 =	rddreg [dreg:$0x0];
	s2 =	stileid.u32  }
0x7e: {  	s1 =	rddreg [dreg:$0x1];
	p0 =	sne.s32 s2, $0x0  }
0x7f: {  	s3 =	rddreg [dreg:$0x2];
	[bflag:$0x3] =	sbarrier.arrive $0xFFFF;
	s2 =	simm.s32 @!p0 $0x1C01  }
0x80: {  	[timem:s3], [sflag:s2] =	dma.local @!p0 [hbm:s0], s1  }
0x81: {  	s0 =	simm.s32 @!p0 $0x1  }
0x82: {  	_ =	swait.ge @!p0 [sflag:s0], s1  }
0x83: {  	s1 =	ssub.s32 @!p0 $0x0, s1;
	[sflag:s0] =	ssyncset.done @!p0 $0x0  }
0x84: {  	[sflag:s0] =	ssyncadd.s32 @!p0 s1  }
0x85: {  	[bflag:$0x3] =	sbarrier.arrive $0xFFFF  }
0x86: {  	_ =	shalt  }

</sc_bundles>
